<compile_context>
chip_gen: v7x
topology: tpu7x:2x2x1
jax: 0.10.2.dev20260603
libtpu: 0.0.44.dev20260713+nightly
codegen_flags: <defaults>
</compile_context>

<pallas_src>
import functools

import jax
import jax.numpy as jnp
from jax import lax
from jax.experimental import pallas as pl
from jax.experimental.pallas import tpu as pltpu
from jax.experimental.pallas import tpu_sc as plsc

DIM = 256
K = 8192
NT = 2304
KB = 2048
TG = 8
LC = 128


def _argmin_body(x_ref, e_ref, x2_ref, e2_ref, idx_ref,
                 xb_s, mm_s, best_ref, bidx_ref):
    k = pl.program_id(0)

    @pl.when(k == 0)
    def _init():
        xb_s[...] = x_ref[...].astype(jnp.bfloat16)
        best_ref[...] = jnp.full((NT, LC), jnp.inf, jnp.float32)
        bidx_ref[...] = jnp.zeros((NT, LC), jnp.int32)

    mm_s[...] = lax.dot_general(
        xb_s[...], e_ref[...].astype(jnp.bfloat16),
        (((1,), (1,)), ((), ())),
        preferred_element_type=jnp.float32)

    nchunk = KB // LC
    x2 = x2_ref[...]
    iota = lax.broadcasted_iota(jnp.int32, (NT, LC), 1)
    b = best_ref[...]
    bi = bidx_ref[...]
    for c in range(nchunk):
        mmc = mm_s[:, pl.ds(c * LC, LC)]
        s = (x2 - 2.0 * mmc) + e2_ref[:, pl.ds(c * LC, LC)]
        m = s < b
        b = jnp.minimum(s, b)
        bi = jnp.where(m, iota + (k * KB + c * LC), bi)
    best_ref[...] = b
    bidx_ref[...] = bi

    @pl.when(k == pl.num_programs(0) - 1)
    def _emit():
        b = best_ref[...]
        mn = jnp.min(b, axis=1, keepdims=True)
        cand = jnp.where(b == mn, bidx_ref[...], K)
        idx_ref[...] = jnp.min(cand, axis=1, keepdims=True)


def _argmin_indices(xf, ef, x2, e2):
    return pl.pallas_call(
        _argmin_body,
        grid=(K // KB,),
        in_specs=[
            pl.BlockSpec((NT, DIM), lambda k: (0, 0)),
            pl.BlockSpec((KB, DIM), lambda k: (k, 0)),
            pl.BlockSpec((NT, 1), lambda k: (0, 0)),
            pl.BlockSpec((1, KB), lambda k: (0, k)),
        ],
        out_specs=pl.BlockSpec((NT, 1), lambda k: (0, 0)),
        out_shape=jax.ShapeDtypeStruct((NT, 1), jnp.int32),
        scratch_shapes=[
            pltpu.VMEM((NT, DIM), jnp.bfloat16),
            pltpu.VMEM((NT, KB), jnp.float32),
            pltpu.VMEM((NT, LC), jnp.float32),
            pltpu.VMEM((NT, LC), jnp.int32),
        ],
    )(xf, ef, x2, e2)


def _sc_gather(table, idx):
    info = plsc.get_sparse_core_info()
    nc, ns = info.num_cores, info.num_subcores
    bpw = NT // (nc * ns)
    mesh = plsc.VectorSubcoreMesh(core_axis_name="c", subcore_axis_name="s")

    @functools.partial(
        pl.kernel, mesh=mesh,
        out_type=jax.ShapeDtypeStruct((NT, DIM), jnp.float32),
        scratch_types=[
            pltpu.VMEM((bpw,), jnp.int32),
            pltpu.VMEM((bpw, DIM), jnp.float32),
            pltpu.SemaphoreType.DMA,
        ],
    )
    def gather_kernel(table_hbm, idx_hbm, out_hbm, idx_v, rows_v, sem):
        wid = lax.axis_index("s") * nc + lax.axis_index("c")
        base = wid * bpw
        pltpu.sync_copy(idx_hbm.at[pl.ds(base, bpw)], idx_v)
        pltpu.async_copy(table_hbm.at[idx_v], rows_v, sem).wait()
        pltpu.sync_copy(rows_v, out_hbm.at[pl.ds(base, bpw)])

    return gather_kernel(table, idx)


def kernel(x, embed):
    xf = x.reshape(NT, DIM)
    ef = embed.reshape(K, DIM)
    x2 = jnp.sum(x * x, axis=-1).reshape(NT, 1)
    e2 = jnp.sum(embed * embed, axis=-1).reshape(1, K)
    idx = _argmin_indices(xf, ef, x2, e2)
    idx_flat = idx.reshape(NT)
    quant = _sc_gather(ef, idx_flat)
    return quant.reshape(x.shape), idx_flat.reshape(x.shape[:-1])

# --- scband reference (transcript-rebuilt; emitter-appended) ---
"""Pipeline reference for scband-euclidean-codebook-31301721653526 (READ-ONLY COPY).

The authoritative reference and input builder live on the scoring server;
editing this copy changes nothing except your own understanding.
"""

import jax, jax.numpy as jnp
import numpy as np

DIM = 256
CODEBOOK_SIZE = 8192
NUM_CODEBOOKS = 1
B, N = 4, 576


def kaiming_uniform(key, shape):
    # nn.init.kaiming_uniform_ default: a=sqrt(5) -> gain = sqrt(2/(1+5)) = sqrt(1/3)
    fan_in = shape[-1]
    gain = np.sqrt(1.0 / 3.0)
    bound = gain * np.sqrt(3.0 / fan_in)
    return jax.random.uniform(key, shape, minval=-bound, maxval=bound, dtype=jnp.float32)


def setup_inputs(seed: int = 0) -> dict:
    key = jax.random.key(seed)
    kx, ke = jax.random.split(key)
    x = jax.random.normal(kx, (B, N, DIM), dtype=jnp.float32)
    embed = kaiming_uniform(ke, (NUM_CODEBOOKS, CODEBOOK_SIZE, DIM))
    return {"x": x, "embed": embed}


def reference(x, embed):
    # EuclideanCodebook.forward (eval path, initted=True, num_codebooks=1):
    # x: [B, N, D] -> add codebook dim h=1, flatten tokens
    d = x.shape[-1]
    flatten = x.reshape(1, -1, d)  # h (...) d
    e = embed  # [h, K, d]
    # negative squared euclidean distance
    dist = -(
        jnp.sum(flatten ** 2, axis=-1, keepdims=True)
        - 2.0 * jnp.einsum("hnd,hkd->hnk", flatten, e)
        + jnp.sum(e ** 2, axis=-1)[:, None, :]
    )
    embed_ind = jnp.argmax(dist, axis=-1)  # [h, B*N]
    # batched_embedding: one_hot soft weights @ codebook (straight-through term is zero for int indices)
    onehot = jax.nn.one_hot(embed_ind, e.shape[1], dtype=flatten.dtype)  # [h, B*N, K]
    quantize_flat = jnp.einsum("hnk,hkd->hnd", onehot, e)  # [h, B*N, d]
    quantize = quantize_flat.reshape(x.shape)
    embed_ind_out = embed_ind.reshape(x.shape[:-1])
    return quantize, embed_ind_out

if __name__ == "__main__":
    import jax
    _d = setup_inputs()
    print(jax.jit(kernel)(*tuple(_d.values())))

</pallas_src>

<mosaic_0001>
#map = affine_map<(d0, d1) -> (0, 0)>
#map1 = affine_map<(d0, d1) -> (0)>
module attributes {stable_mosaic.version = 14 : i64} {
  func.func @gather_kernel(%arg0: i32, %arg1: i32, %arg2: memref<8192x256xf32, #tpu.memory_space<hbm>>, %arg3: memref<2304xi32, #tpu.memory_space<hbm>>, %arg4: memref<2304x256xf32, #tpu.memory_space<hbm>>, %arg5: memref<72xi32, #tpu.memory_space<vmem>>, %arg6: memref<72x256xf32, #tpu.memory_space<vmem>>, %arg7: memref<!tpu.dma_semaphore, #tpu.memory_space<semaphore_mem>>) attributes {dimension_semantics = [#tpu.dimension_semantics<core_parallel>, #tpu.dimension_semantics<subcore_parallel>], iteration_bounds = array<i64: 2, 16>, scalar_prefetch = 0 : i64, scratch_operands = 3 : i64, tpu.core_type = #tpu.core_type<sc_vector_subcore>, window_params = [{transform_indices = #map}, {transform_indices = #map1}, {transform_indices = #map}]} {
    %mul3A = arith.constant 2 : i32
    %mul3A_0 = arith.muli %arg1, %mul3A : i32
    %add3A = arith.addi %mul3A_0, %arg0 : i32
    %mul3A_1 = arith.constant 72 : i32
    %mul3A_2 = arith.muli %add3A, %mul3A_1 : i32
    "tpu.region"() ({
      %run_scoped3A = tpu.sem_alloc : memref<!tpu.dma_semaphore, #tpu.memory_space<semaphore_mem>>
      %dma_start3A_7 = tpu.memref_slice %arg3[%mul3A_2] : memref<2304xi32, #tpu.memory_space<hbm>> -> memref<72xi32, #tpu.memory_space<hbm>>
      %dma_start3A_8 = tpu.memref_slice %arg3[%mul3A_2] : memref<2304xi32, #tpu.memory_space<hbm>> -> memref<72xi32, #tpu.memory_space<hbm>>
      tpu.enqueue_dma source(%dma_start3A_8 : memref<72xi32, #tpu.memory_space<hbm>>) target(%arg5 : memref<72xi32, #tpu.memory_space<vmem>>) target_semaphore(%run_scoped3A : memref<!tpu.dma_semaphore, #tpu.memory_space<semaphore_mem>>)
      %dma_wait3A_9 = tpu.memref_slice %arg3[%mul3A_2] : memref<2304xi32, #tpu.memory_space<hbm>> -> memref<72xi32, #tpu.memory_space<hbm>>
      %dma_wait3A_10 = tpu.memref_slice %arg3[%mul3A_2] : memref<2304xi32, #tpu.memory_space<hbm>> -> memref<72xi32, #tpu.memory_space<hbm>>
      tpu.wait_dma2 semaphore(%run_scoped3A : memref<!tpu.dma_semaphore, #tpu.memory_space<semaphore_mem>>) src(%dma_wait3A_10 : memref<72xi32, #tpu.memory_space<hbm>>) dst(%arg5 : memref<72xi32, #tpu.memory_space<vmem>>)
      tpu.yield
    }) : () -> ()
    %dma_start3A = arith.constant 0 : i32
    %dma_start3A_3 = arith.constant 0 : i32
    %dma_start3A_4 = tpu.memref_slice %arg2[%dma_start3A, %dma_start3A_3] : memref<8192x256xf32, #tpu.memory_space<hbm>> -> memref<8192x256xf32, #tpu.memory_space<hbm>>
    tpu.enqueue_indirect_dma source(%dma_start3A_4 : memref<8192x256xf32, #tpu.memory_space<hbm>>) target(%arg6 : memref<72x256xf32, #tpu.memory_space<vmem>>) offsets(%arg5 : memref<72xi32, #tpu.memory_space<vmem>>) semaphore(%arg7 : memref<!tpu.dma_semaphore, #tpu.memory_space<semaphore_mem>>)
    %dma_wait3A = arith.constant 0 : i32
    %dma_wait3A_5 = arith.constant 0 : i32
    %dma_wait3A_6 = tpu.memref_slice %arg2[%dma_wait3A, %dma_wait3A_5] : memref<8192x256xf32, #tpu.memory_space<hbm>> -> memref<8192x256xf32, #tpu.memory_space<hbm>>
    tpu.wait_indirect_dma semaphore(%arg7 : memref<!tpu.dma_semaphore, #tpu.memory_space<semaphore_mem>>) src(%dma_wait3A_6 : memref<8192x256xf32, #tpu.memory_space<hbm>>) dst(%arg6 : memref<72x256xf32, #tpu.memory_space<vmem>>)
    "tpu.region"() ({
      %run_scoped3A = tpu.sem_alloc : memref<!tpu.dma_semaphore, #tpu.memory_space<semaphore_mem>>
      %dma_start3A_7 = arith.constant 0 : i32
      %dma_start3A_8 = tpu.memref_slice %arg4[%mul3A_2, %dma_start3A_7] : memref<2304x256xf32, #tpu.memory_space<hbm>> -> memref<72x256xf32, #tpu.memory_space<hbm>>
      %dma_start3A_9 = arith.constant 0 : i32
      %dma_start3A_10 = tpu.memref_slice %arg4[%mul3A_2, %dma_start3A_9] : memref<2304x256xf32, #tpu.memory_space<hbm>> -> memref<72x256xf32, #tpu.memory_space<hbm>>
      tpu.enqueue_dma source(%arg6 : memref<72x256xf32, #tpu.memory_space<vmem>>) target(%dma_start3A_10 : memref<72x256xf32, #tpu.memory_space<hbm>>) target_semaphore(%run_scoped3A : memref<!tpu.dma_semaphore, #tpu.memory_space<semaphore_mem>>)
      %dma_wait3A_11 = arith.constant 0 : i32
      %dma_wait3A_12 = tpu.memref_slice %arg4[%mul3A_2, %dma_wait3A_11] : memref<2304x256xf32, #tpu.memory_space<hbm>> -> memref<72x256xf32, #tpu.memory_space<hbm>>
      %dma_wait3A_13 = arith.constant 0 : i32
      %dma_wait3A_14 = tpu.memref_slice %arg4[%mul3A_2, %dma_wait3A_13] : memref<2304x256xf32, #tpu.memory_space<hbm>> -> memref<72x256xf32, #tpu.memory_space<hbm>>
      tpu.wait_dma2 semaphore(%run_scoped3A : memref<!tpu.dma_semaphore, #tpu.memory_space<semaphore_mem>>) src(%arg6 : memref<72x256xf32, #tpu.memory_space<vmem>>) dst(%dma_wait3A_14 : memref<72x256xf32, #tpu.memory_space<hbm>>)
      tpu.yield
    }) : () -> ()
    return
  }
}

module attributes {stable_mosaic.version = 14 : i64} {
  func.func @_argmin_body(%arg0: i32, %arg1: memref<2304x256xf32, #tpu.memory_space<vmem>>, %arg2: memref<2048x256xf32, #tpu.memory_space<vmem>>, %arg3: memref<2304x1xf32, #tpu.memory_space<vmem>>, %arg4: memref<1x2048xf32, #tpu.memory_space<vmem>>, %arg5: memref<2304x1xi32, #tpu.memory_space<vmem>>, %arg6: memref<2304x256xbf16, #tpu.memory_space<vmem>>, %arg7: memref<2304x2048xf32, #tpu.memory_space<vmem>>, %arg8: memref<2304x128xf32, #tpu.memory_space<vmem>>, %arg9: memref<2304x128xi32, #tpu.memory_space<vmem>>) attributes {dimension_semantics = [#tpu.dimension_semantics<arbitrary>], iteration_bounds = array<i64: 4>, scalar_prefetch = 0 : i64, scratch_operands = 4 : i64, tpu.core_type = #tpu.core_type<tc>, window_params = [{pipeline_mode = #tpu.pipeline_mode<synchronous>, transform_indices = @transform_0, window_bounds = array<i64: 2304, 256>}, {transform_indices = @transform_1, window_bounds = array<i64: 2048, 256>}, {pipeline_mode = #tpu.pipeline_mode<synchronous>, transform_indices = @transform_2, window_bounds = array<i64: 2304, 1>}, {transform_indices = @transform_3, window_bounds = array<i64: 1, 2048>}, {pipeline_mode = #tpu.pipeline_mode<synchronous>, transform_indices = @transform_4, window_bounds = array<i64: 2304, 1>}]} {
    %eq3A = arith.constant 0 : i32
    %eq3A_0 = arith.cmpi eq, %arg0, %eq3A : i32
    %convert_element_type3A = arith.extui %eq3A_0 : i1 to i32
    %cond3A = arith.constant 0 : i32
    %cond3A_1 = arith.cmpi ne, %convert_element_type3A, %cond3A : i32
    scf.if %cond3A_1 {
      %get3A_377 = arith.constant 0 : index
      %get3A_378 = arith.constant 0 : index
      %get3A_379 = vector.load %arg1[%get3A_377, %get3A_378] : memref<2304x256xf32, #tpu.memory_space<vmem>>, vector<2304x256xf32>
      %convert_element_type3A_380 = arith.truncf %get3A_379 : vector<2304x256xf32> to vector<2304x256xbf16>
      %swap3A_381 = arith.constant 0 : index
      %swap3A_382 = arith.constant 0 : index
      %swap3A_383 = vector.load %arg6[%swap3A_381, %swap3A_382] : memref<2304x256xbf16, #tpu.memory_space<vmem>>, vector<2304x256xbf16>
      tpu.vector_store %arg6[%swap3A_381, %swap3A_382], %convert_element_type3A_380 {strides = array<i32>} : memref<2304x256xbf16, #tpu.memory_space<vmem>>, vector<2304x256xbf16>,
      %broadcast_in_dim3A = arith.constant 0x7F800000 : f32
      %broadcast_in_dim3A_384 = vector.broadcast %broadcast_in_dim3A : f32 to vector<2304x128xf32>
      %swap3A_385 = arith.constant 0 : index
      %swap3A_386 = arith.constant 0 : index
      %swap3A_387 = vector.load %arg8[%swap3A_385, %swap3A_386] : memref<2304x128xf32, #tpu.memory_space<vmem>>, vector<2304x128xf32>
      tpu.vector_store %arg8[%swap3A_385, %swap3A_386], %broadcast_in_dim3A_384 {strides = array<i32>} : memref<2304x128xf32, #tpu.memory_space<vmem>>, vector<2304x128xf32>,
      %broadcast_in_dim3A_388 = arith.constant 0 : i32
      %broadcast_in_dim3A_389 = vector.broadcast %broadcast_in_dim3A_388 : i32 to vector<2304x128xi32>
      %swap3A_390 = arith.constant 0 : index
      %swap3A_391 = arith.constant 0 : index
      %swap3A_392 = vector.load %arg9[%swap3A_390, %swap3A_391] : memref<2304x128xi32, #tpu.memory_space<vmem>>, vector<2304x128xi32>
      tpu.vector_store %arg9[%swap3A_390, %swap3A_391], %broadcast_in_dim3A_389 {strides = array<i32>} : memref<2304x128xi32, #tpu.memory_space<vmem>>, vector<2304x128xi32>,
    } else {
    }
    %get3A = arith.constant 0 : index
    %get3A_2 = arith.constant 0 : index
    %get3A_3 = vector.load %arg6[%get3A, %get3A_2] : memref<2304x256xbf16, #tpu.memory_space<vmem>>, vector<2304x256xbf16>
    %get3A_4 = arith.constant 0 : index
    %get3A_5 = arith.constant 0 : index
    %get3A_6 = vector.load %arg2[%get3A_4, %get3A_5] : memref<2048x256xf32, #tpu.memory_space<vmem>>, vector<2048x256xf32>
    %convert_element_type3A_7 = arith.truncf %get3A_6 : vector<2048x256xf32> to vector<2048x256xbf16>
    %dot_general3A = arith.constant dense<0.000000e+00> : vector<2304x2048xf32>
    %dot_general3A_8 = tpu.matmul %get3A_3, %convert_element_type3A_7, %dot_general3A {dimension_numbers = #tpu.dot_dimension_numbers<[1], [1], [0], [0], [0, 0, 1, 0], [], []>, transpose_lhs_hint = false} : vector<2304x256xbf16>, vector<2048x256xbf16>, vector<2304x2048xf32> -> vector<2304x2048xf32>
    %swap3A = arith.constant 0 : index
    %swap3A_9 = arith.constant 0 : index
    %swap3A_10 = vector.load %arg7[%swap3A, %swap3A_9] : memref<2304x2048xf32, #tpu.memory_space<vmem>>, vector<2304x2048xf32>
    tpu.vector_store %arg7[%swap3A, %swap3A_9], %dot_general3A_8 {strides = array<i32>} : memref<2304x2048xf32, #tpu.memory_space<vmem>>, vector<2304x2048xf32>,
    %get3A_11 = arith.constant 0 : index
    %get3A_12 = arith.constant 0 : index
    %get3A_13 = vector.load %arg3[%get3A_11, %get3A_12] : memref<2304x1xf32, #tpu.memory_space<vmem>>, vector<2304x1xf32>
    %iota3A = tpu.iota {dimensions = array<i32: 1>} : vector<2304x128xi32>
    %get3A_14 = arith.constant 0 : index
    %get3A_15 = arith.constant 0 : index
    %get3A_16 = vector.load %arg8[%get3A_14, %get3A_15] : memref<2304x128xf32, #tpu.memory_space<vmem>>, vector<2304x128xf32>
    %get3A_17 = arith.constant 0 : index
    %get3A_18 = arith.constant 0 : index
    %get3A_19 = vector.load %arg9[%get3A_17, %get3A_18] : memref<2304x128xi32, #tpu.memory_space<vmem>>, vector<2304x128xi32>
    %get3A_20 = arith.constant 0 : index
    %get3A_21 = arith.constant 0 : index
    %get3A_22 = vector.load %arg7[%get3A_20, %get3A_21] : memref<2304x2048xf32, #tpu.memory_space<vmem>>, vector<2304x128xf32>
    %mul3A = arith.constant 2.000000e+00 : f32
    %mul3A_23 = vector.broadcast %mul3A : f32 to vector<2304x128xf32>
    %mul3A_24 = arith.mulf %mul3A_23, %get3A_22 : vector<2304x128xf32>
    %sub3A = vector.broadcast %get3A_13 : vector<2304x1xf32> to vector<2304x128xf32>
    %sub3A_25 = arith.subf %sub3A, %mul3A_24 : vector<2304x128xf32>
    %get3A_26 = arith.constant 0 : index
    %get3A_27 = arith.constant 0 : index
    %get3A_28 = vector.load %arg4[%get3A_26, %get3A_27] : memref<1x2048xf32, #tpu.memory_space<vmem>>, vector<1x128xf32>
    %add3A = vector.broadcast %get3A_28 : vector<1x128xf32> to vector<2304x128xf32>
    %add3A_29 = arith.addf %sub3A_25, %add3A : vector<2304x128xf32>
    %lt3A = arith.cmpf olt, %add3A_29, %get3A_16 : vector<2304x128xf32>
    %min3A = arith.minimumf %add3A_29, %get3A_16 : vector<2304x128xf32>
    %mul3A_30 = arith.constant 2048 : i32
    %mul3A_31 = arith.muli %arg0, %mul3A_30 : i32
    %add3A_32 = arith.constant 0 : i32
    %add3A_33 = arith.addi %mul3A_31, %add3A_32 : i32
    %add3A_34 = vector.broadcast %add3A_33 : i32 to vector<2304x128xi32>
    %add3A_35 = arith.addi %iota3A, %add3A_34 : vector<2304x128xi32>
    %select_n3A = arith.select %lt3A, %add3A_35, %get3A_19 : vector<2304x128xi1>, vector<2304x128xi32>
    %get3A_36 = arith.constant 0 : index
    %get3A_37 = arith.constant 128 : index
    %get3A_38 = vector.load %arg7[%get3A_36, %get3A_37] : memref<2304x2048xf32, #tpu.memory_space<vmem>>, vector<2304x128xf32>
    %mul3A_39 = arith.constant 2.000000e+00 : f32
    %mul3A_40 = vector.broadcast %mul3A_39 : f32 to vector<2304x128xf32>
    %mul3A_41 = arith.mulf %mul3A_40, %get3A_38 : vector<2304x128xf32>
    %sub3A_42 = vector.broadcast %get3A_13 : vector<2304x1xf32> to vector<2304x128xf32>
    %sub3A_43 = arith.subf %sub3A_42, %mul3A_41 : vector<2304x128xf32>
    %get3A_44 = arith.constant 0 : index
    %get3A_45 = arith.constant 128 : index
    %get3A_46 = vector.load %arg4[%get3A_44, %get3A_45] : memref<1x2048xf32, #tpu.memory_space<vmem>>, vector<1x128xf32>
    %add3A_47 = vector.broadcast %get3A_46 : vector<1x128xf32> to vector<2304x128xf32>
    %add3A_48 = arith.addf %sub3A_43, %add3A_47 : vector<2304x128xf32>
    %lt3A_49 = arith.cmpf olt, %add3A_48, %min3A : vector<2304x128xf32>
    %min3A_50 = arith.minimumf %add3A_48, %min3A : vector<2304x128xf32>
    %mul3A_51 = arith.constant 2048 : i32
    %mul3A_52 = arith.muli %arg0, %mul3A_51 : i32
    %add3A_53 = arith.constant 128 : i32
    %add3A_54 = arith.addi %mul3A_52, %add3A_53 : i32
    %add3A_55 = vector.broadcast %add3A_54 : i32 to vector<2304x128xi32>
    %add3A_56 = arith.addi %iota3A, %add3A_55 : vector<2304x128xi32>
    %select_n3A_57 = arith.select %lt3A_49, %add3A_56, %select_n3A : vector<2304x128xi1>, vector<2304x128xi32>
    %get3A_58 = arith.constant 0 : index
    %get3A_59 = arith.constant 256 : index
    %get3A_60 = vector.load %arg7[%get3A_58, %get3A_59] : memref<2304x2048xf32, #tpu.memory_space<vmem>>, vector<2304x128xf32>
    %mul3A_61 = arith.constant 2.000000e+00 : f32
    %mul3A_62 = vector.broadcast %mul3A_61 : f32 to vector<2304x128xf32>
    %mul3A_63 = arith.mulf %mul3A_62, %get3A_60 : vector<2304x128xf32>
    %sub3A_64 = vector.broadcast %get3A_13 : vector<2304x1xf32> to vector<2304x128xf32>
    %sub3A_65 = arith.subf %sub3A_64, %mul3A_63 : vector<2304x128xf32>
    %get3A_66 = arith.constant 0 : index
    %get3A_67 = arith.constant 256 : index
    %get3A_68 = vector.load %arg4[%get3A_66, %get3A_67] : memref<1x2048xf32, #tpu.memory_space<vmem>>, vector<1x128xf32>
    %add3A_69 = vector.broadcast %get3A_68 : vector<1x128xf32> to vector<2304x128xf32>
    %add3A_70 = arith.addf %sub3A_65, %add3A_69 : vector<2304x128xf32>
    %lt3A_71 = arith.cmpf olt, %add3A_70, %min3A_50 : vector<2304x128xf32>
    %min3A_72 = arith.minimumf %add3A_70, %min3A_50 : vector<2304x128xf32>
    %mul3A_73 = arith.constant 2048 : i32
    %mul3A_74 = arith.muli %arg0, %mul3A_73 : i32
    %add3A_75 = arith.constant 256 : i32
    %add3A_76 = arith.addi %mul3A_74, %add3A_75 : i32
    %add3A_77 = vector.broadcast %add3A_76 : i32 to vector<2304x128xi32>
    %add3A_78 = arith.addi %iota3A, %add3A_77 : vector<2304x128xi32>
    %select_n3A_79 = arith.select %lt3A_71, %add3A_78, %select_n3A_57 : vector<2304x128xi1>, vector<2304x128xi32>
    %get3A_80 = arith.constant 0 : index
    %get3A_81 = arith.constant 384 : index
    %get3A_82 = vector.load %arg7[%get3A_80, %get3A_81] : memref<2304x2048xf32, #tpu.memory_space<vmem>>, vector<2304x128xf32>
    %mul3A_83 = arith.constant 2.000000e+00 : f32
    %mul3A_84 = vector.broadcast %mul3A_83 : f32 to vector<2304x128xf32>
    %mul3A_85 = arith.mulf %mul3A_84, %get3A_82 : vector<2304x128xf32>
    %sub3A_86 = vector.broadcast %get3A_13 : vector<2304x1xf32> to vector<2304x128xf32>
    %sub3A_87 = arith.subf %sub3A_86, %mul3A_85 : vector<2304x128xf32>
    %get3A_88 = arith.constant 0 : index
    %get3A_89 = arith.constant 384 : index
    %get3A_90 = vector.load %arg4[%get3A_88, %get3A_89] : memref<1x2048xf32, #tpu.memory_space<vmem>>, vector<1x128xf32>
    %add3A_91 = vector.broadcast %get3A_90 : vector<1x128xf32> to vector<2304x128xf32>
    %add3A_92 = arith.addf %sub3A_87, %add3A_91 : vector<2304x128xf32>
    %lt3A_93 = arith.cmpf olt, %add3A_92, %min3A_72 : vector<2304x128xf32>
    %min3A_94 = arith.minimumf %add3A_92, %min3A_72 : vector<2304x128xf32>
    %mul3A_95 = arith.constant 2048 : i32
    %mul3A_96 = arith.muli %arg0, %mul3A_95 : i32
    %add3A_97 = arith.constant 384 : i32
    %add3A_98 = arith.addi %mul3A_96, %add3A_97 : i32
    %add3A_99 = vector.broadcast %add3A_98 : i32 to vector<2304x128xi32>
    %add3A_100 = arith.addi %iota3A, %add3A_99 : vector<2304x128xi32>
    %select_n3A_101 = arith.select %lt3A_93, %add3A_100, %select_n3A_79 : vector<2304x128xi1>, vector<2304x128xi32>
    %get3A_102 = arith.constant 0 : index
    %get3A_103 = arith.constant 512 : index
    %get3A_104 = vector.load %arg7[%get3A_102, %get3A_103] : memref<2304x2048xf32, #tpu.memory_space<vmem>>, vector<2304x128xf32>
    %mul3A_105 = arith.constant 2.000000e+00 : f32
    %mul3A_106 = vector.broadcast %mul3A_105 : f32 to vector<2304x128xf32>
    %mul3A_107 = arith.mulf %mul3A_106, %get3A_104 : vector<2304x128xf32>
    %sub3A_108 = vector.broadcast %get3A_13 : vector<2304x1xf32> to vector<2304x128xf32>
    %sub3A_109 = arith.subf %sub3A_108, %mul3A_107 : vector<2304x128xf32>
    %get3A_110 = arith.constant 0 : index
    %get3A_111 = arith.constant 512 : index
    %get3A_112 = vector.load %arg4[%get3A_110, %get3A_111] : memref<1x2048xf32, #tpu.memory_space<vmem>>, vector<1x128xf32>
    %add3A_113 = vector.broadcast %get3A_112 : vector<1x128xf32> to vector<2304x128xf32>
    %add3A_114 = arith.addf %sub3A_109, %add3A_113 : vector<2304x128xf32>
    %lt3A_115 = arith.cmpf olt, %add3A_114, %min3A_94 : vector<2304x128xf32>
    %min3A_116 = arith.minimumf %add3A_114, %min3A_94 : vector<2304x128xf32>
    %mul3A_117 = arith.constant 2048 : i32
    %mul3A_118 = arith.muli %arg0, %mul3A_117 : i32
    %add3A_119 = arith.constant 512 : i32
    %add3A_120 = arith.addi %mul3A_118, %add3A_119 : i32
    %add3A_121 = vector.broadcast %add3A_120 : i32 to vector<2304x128xi32>
    %add3A_122 = arith.addi %iota3A, %add3A_121 : vector<2304x128xi32>
    %select_n3A_123 = arith.select %lt3A_115, %add3A_122, %select_n3A_101 : vector<2304x128xi1>, vector<2304x128xi32>
    %get3A_124 = arith.constant 0 : index
    %get3A_125 = arith.constant 640 : index
    %get3A_126 = vector.load %arg7[%get3A_124, %get3A_125] : memref<2304x2048xf32, #tpu.memory_space<vmem>>, vector<2304x128xf32>
    %mul3A_127 = arith.constant 2.000000e+00 : f32
    %mul3A_128 = vector.broadcast %mul3A_127 : f32 to vector<2304x128xf32>
    %mul3A_129 = arith.mulf %mul3A_128, %get3A_126 : vector<2304x128xf32>
    %sub3A_130 = vector.broadcast %get3A_13 : vector<2304x1xf32> to vector<2304x128xf32>
    %sub3A_131 = arith.subf %sub3A_130, %mul3A_129 : vector<2304x128xf32>
    %get3A_132 = arith.constant 0 : index
    %get3A_133 = arith.constant 640 : index
    %get3A_134 = vector.load %arg4[%get3A_132, %get3A_133] : memref<1x2048xf32, #tpu.memory_space<vmem>>, vector<1x128xf32>
    %add3A_135 = vector.broadcast %get3A_134 : vector<1x128xf32> to vector<2304x128xf32>
    %add3A_136 = arith.addf %sub3A_131, %add3A_135 : vector<2304x128xf32>
    %lt3A_137 = arith.cmpf olt, %add3A_136, %min3A_116 : vector<2304x128xf32>
    %min3A_138 = arith.minimumf %add3A_136, %min3A_116 : vector<2304x128xf32>
    %mul3A_139 = arith.constant 2048 : i32
    %mul3A_140 = arith.muli %arg0, %mul3A_139 : i32
    %add3A_141 = arith.constant 640 : i32
    %add3A_142 = arith.addi %mul3A_140, %add3A_141 : i32
    %add3A_143 = vector.broadcast %add3A_142 : i32 to vector<2304x128xi32>
    %add3A_144 = arith.addi %iota3A, %add3A_143 : vector<2304x128xi32>
    %select_n3A_145 = arith.select %lt3A_137, %add3A_144, %select_n3A_123 : vector<2304x128xi1>, vector<2304x128xi32>
    %get3A_146 = arith.constant 0 : index
    %get3A_147 = arith.constant 768 : index
    %get3A_148 = vector.load %arg7[%get3A_146, %get3A_147] : memref<2304x2048xf32, #tpu.memory_space<vmem>>, vector<2304x128xf32>
    %mul3A_149 = arith.constant 2.000000e+00 : f32
    %mul3A_150 = vector.broadcast %mul3A_149 : f32 to vector<2304x128xf32>
    %mul3A_151 = arith.mulf %mul3A_150, %get3A_148 : vector<2304x128xf32>
    %sub3A_152 = vector.broadcast %get3A_13 : vector<2304x1xf32> to vector<2304x128xf32>
    %sub3A_153 = arith.subf %sub3A_152, %mul3A_151 : vector<2304x128xf32>
    %get3A_154 = arith.constant 0 : index
    %get3A_155 = arith.constant 768 : index
    %get3A_156 = vector.load %arg4[%get3A_154, %get3A_155] : memref<1x2048xf32, #tpu.memory_space<vmem>>, vector<1x128xf32>
    %add3A_157 = vector.broadcast %get3A_156 : vector<1x128xf32> to vector<2304x128xf32>
    %add3A_158 = arith.addf %sub3A_153, %add3A_157 : vector<2304x128xf32>
    %lt3A_159 = arith.cmpf olt, %add3A_158, %min3A_138 : vector<2304x128xf32>
    %min3A_160 = arith.minimumf %add3A_158, %min3A_138 : vector<2304x128xf32>
    %mul3A_161 = arith.constant 2048 : i32
    %mul3A_162 = arith.muli %arg0, %mul3A_161 : i32
    %add3A_163 = arith.constant 768 : i32
    %add3A_164 = arith.addi %mul3A_162, %add3A_163 : i32
    %add3A_165 = vector.broadcast %add3A_164 : i32 to vector<2304x128xi32>
    %add3A_166 = arith.addi %iota3A, %add3A_165 : vector<2304x128xi32>
    %select_n3A_167 = arith.select %lt3A_159, %add3A_166, %select_n3A_145 : vector<2304x128xi1>, vector<2304x128xi32>
    %get3A_168 = arith.constant 0 : index
    %get3A_169 = arith.constant 896 : index
    %get3A_170 = vector.load %arg7[%get3A_168, %get3A_169] : memref<2304x2048xf32, #tpu.memory_space<vmem>>, vector<2304x128xf32>
    %mul3A_171 = arith.constant 2.000000e+00 : f32
    %mul3A_172 = vector.broadcast %mul3A_171 : f32 to vector<2304x128xf32>
    %mul3A_173 = arith.mulf %mul3A_172, %get3A_170 : vector<2304x128xf32>
    %sub3A_174 = vector.broadcast %get3A_13 : vector<2304x1xf32> to vector<2304x128xf32>
    %sub3A_175 = arith.subf %sub3A_174, %mul3A_173 : vector<2304x128xf32>
    %get3A_176 = arith.constant 0 : index
    %get3A_177 = arith.constant 896 : index
    %get3A_178 = vector.load %arg4[%get3A_176, %get3A_177] : memref<1x2048xf32, #tpu.memory_space<vmem>>, vector<1x128xf32>
    %add3A_179 = vector.broadcast %get3A_178 : vector<1x128xf32> to vector<2304x128xf32>
    %add3A_180 = arith.addf %sub3A_175, %add3A_179 : vector<2304x128xf32>
    %lt3A_181 = arith.cmpf olt, %add3A_180, %min3A_160 : vector<2304x128xf32>
    %min3A_182 = arith.minimumf %add3A_180, %min3A_160 : vector<2304x128xf32>
    %mul3A_183 = arith.constant 2048 : i32
    %mul3A_184 = arith.muli %arg0, %mul3A_183 : i32
    %add3A_185 = arith.constant 896 : i32
    %add3A_186 = arith.addi %mul3A_184, %add3A_185 : i32
    %add3A_187 = vector.broadcast %add3A_186 : i32 to vector<2304x128xi32>
    %add3A_188 = arith.addi %iota3A, %add3A_187 : vector<2304x128xi32>
    %select_n3A_189 = arith.select %lt3A_181, %add3A_188, %select_n3A_167 : vector<2304x128xi1>, vector<2304x128xi32>
    %get3A_190 = arith.constant 0 : index
    %get3A_191 = arith.constant 1024 : index
    %get3A_192 = vector.load %arg7[%get3A_190, %get3A_191] : memref<2304x2048xf32, #tpu.memory_space<vmem>>, vector<2304x128xf32>
    %mul3A_193 = arith.constant 2.000000e+00 : f32
    %mul3A_194 = vector.broadcast %mul3A_193 : f32 to vector<2304x128xf32>
    %mul3A_195 = arith.mulf %mul3A_194, %get3A_192 : vector<2304x128xf32>
    %sub3A_196 = vector.broadcast %get3A_13 : vector<2304x1xf32> to vector<2304x128xf32>
    %sub3A_197 = arith.subf %sub3A_196, %mul3A_195 : vector<2304x128xf32>
    %get3A_198 = arith.constant 0 : index
    %get3A_199 = arith.constant 1024 : index
    %get3A_200 = vector.load %arg4[%get3A_198, %get3A_199] : memref<1x2048xf32, #tpu.memory_space<vmem>>, vector<1x128xf32>
    %add3A_201 = vector.broadcast %get3A_200 : vector<1x128xf32> to vector<2304x128xf32>
    %add3A_202 = arith.addf %sub3A_197, %add3A_201 : vector<2304x128xf32>
    %lt3A_203 = arith.cmpf olt, %add3A_202, %min3A_182 : vector<2304x128xf32>
    %min3A_204 = arith.minimumf %add3A_202, %min3A_182 : vector<2304x128xf32>
    %mul3A_205 = arith.constant 2048 : i32
    %mul3A_206 = arith.muli %arg0, %mul3A_205 : i32
    %add3A_207 = arith.constant 1024 : i32
    %add3A_208 = arith.addi %mul3A_206, %add3A_207 : i32
    %add3A_209 = vector.broadcast %add3A_208 : i32 to vector<2304x128xi32>
    %add3A_210 = arith.addi %iota3A, %add3A_209 : vector<2304x128xi32>
    %select_n3A_211 = arith.select %lt3A_203, %add3A_210, %select_n3A_189 : vector<2304x128xi1>, vector<2304x128xi32>
    %get3A_212 = arith.constant 0 : index
    %get3A_213 = arith.constant 1152 : index
    %get3A_214 = vector.load %arg7[%get3A_212, %get3A_213] : memref<2304x2048xf32, #tpu.memory_space<vmem>>, vector<2304x128xf32>
    %mul3A_215 = arith.constant 2.000000e+00 : f32
    %mul3A_216 = vector.broadcast %mul3A_215 : f32 to vector<2304x128xf32>
    %mul3A_217 = arith.mulf %mul3A_216, %get3A_214 : vector<2304x128xf32>
    %sub3A_218 = vector.broadcast %get3A_13 : vector<2304x1xf32> to vector<2304x128xf32>
    %sub3A_219 = arith.subf %sub3A_218, %mul3A_217 : vector<2304x128xf32>
    %get3A_220 = arith.constant 0 : index
    %get3A_221 = arith.constant 1152 : index
    %get3A_222 = vector.load %arg4[%get3A_220, %get3A_221] : memref<1x2048xf32, #tpu.memory_space<vmem>>, vector<1x128xf32>
    %add3A_223 = vector.broadcast %get3A_222 : vector<1x128xf32> to vector<2304x128xf32>
    %add3A_224 = arith.addf %sub3A_219, %add3A_223 : vector<2304x128xf32>
    %lt3A_225 = arith.cmpf olt, %add3A_224, %min3A_204 : vector<2304x128xf32>
    %min3A_226 = arith.minimumf %add3A_224, %min3A_204 : vector<2304x128xf32>
    %mul3A_227 = arith.constant 2048 : i32
    %mul3A_228 = arith.muli %arg0, %mul3A_227 : i32
    %add3A_229 = arith.constant 1152 : i32
    %add3A_230 = arith.addi %mul3A_228, %add3A_229 : i32
    %add3A_231 = vector.broadcast %add3A_230 : i32 to vector<2304x128xi32>
    %add3A_232 = arith.addi %iota3A, %add3A_231 : vector<2304x128xi32>
    %select_n3A_233 = arith.select %lt3A_225, %add3A_232, %select_n3A_211 : vector<2304x128xi1>, vector<2304x128xi32>
    %get3A_234 = arith.constant 0 : index
    %get3A_235 = arith.constant 1280 : index
    %get3A_236 = vector.load %arg7[%get3A_234, %get3A_235] : memref<2304x2048xf32, #tpu.memory_space<vmem>>, vector<2304x128xf32>
    %mul3A_237 = arith.constant 2.000000e+00 : f32
    %mul3A_238 = vector.broadcast %mul3A_237 : f32 to vector<2304x128xf32>
    %mul3A_239 = arith.mulf %mul3A_238, %get3A_236 : vector<2304x128xf32>
    %sub3A_240 = vector.broadcast %get3A_13 : vector<2304x1xf32> to vector<2304x128xf32>
    %sub3A_241 = arith.subf %sub3A_240, %mul3A_239 : vector<2304x128xf32>
    %get3A_242 = arith.constant 0 : index
    %get3A_243 = arith.constant 1280 : index
    %get3A_244 = vector.load %arg4[%get3A_242, %get3A_243] : memref<1x2048xf32, #tpu.memory_space<vmem>>, vector<1x128xf32>
    %add3A_245 = vector.broadcast %get3A_244 : vector<1x128xf32> to vector<2304x128xf32>
    %add3A_246 = arith.addf %sub3A_241, %add3A_245 : vector<2304x128xf32>
    %lt3A_247 = arith.cmpf olt, %add3A_246, %min3A_226 : vector<2304x128xf32>
    %min3A_248 = arith.minimumf %add3A_246, %min3A_226 : vector<2304x128xf32>
    %mul3A_249 = arith.constant 2048 : i32
    %mul3A_250 = arith.muli %arg0, %mul3A_249 : i32
    %add3A_251 = arith.constant 1280 : i32
    %add3A_252 = arith.addi %mul3A_250, %add3A_251 : i32
    %add3A_253 = vector.broadcast %add3A_252 : i32 to vector<2304x128xi32>
    %add3A_254 = arith.addi %iota3A, %add3A_253 : vector<2304x128xi32>
    %select_n3A_255 = arith.select %lt3A_247, %add3A_254, %select_n3A_233 : vector<2304x128xi1>, vector<2304x128xi32>
    %get3A_256 = arith.constant 0 : index
    %get3A_257 = arith.constant 1408 : index
    %get3A_258 = vector.load %arg7[%get3A_256, %get3A_257] : memref<2304x2048xf32, #tpu.memory_space<vmem>>, vector<2304x128xf32>
    %mul3A_259 = arith.constant 2.000000e+00 : f32
    %mul3A_260 = vector.broadcast %mul3A_259 : f32 to vector<2304x128xf32>
    %mul3A_261 = arith.mulf %mul3A_260, %get3A_258 : vector<2304x128xf32>
    %sub3A_262 = vector.broadcast %get3A_13 : vector<2304x1xf32> to vector<2304x128xf32>
    %sub3A_263 = arith.subf %sub3A_262, %mul3A_261 : vector<2304x128xf32>
    %get3A_264 = arith.constant 0 : index
    %get3A_265 = arith.constant 1408 : index
    %get3A_266 = vector.load %arg4[%get3A_264, %get3A_265] : memref<1x2048xf32, #tpu.memory_space<vmem>>, vector<1x128xf32>
    %add3A_267 = vector.broadcast %get3A_266 : vector<1x128xf32> to vector<2304x128xf32>
    %add3A_268 = arith.addf %sub3A_263, %add3A_267 : vector<2304x128xf32>
    %lt3A_269 = arith.cmpf olt, %add3A_268, %min3A_248 : vector<2304x128xf32>
    %min3A_270 = arith.minimumf %add3A_268, %min3A_248 : vector<2304x128xf32>
    %mul3A_271 = arith.constant 2048 : i32
    %mul3A_272 = arith.muli %arg0, %mul3A_271 : i32
    %add3A_273 = arith.constant 1408 : i32
    %add3A_274 = arith.addi %mul3A_272, %add3A_273 : i32
    %add3A_275 = vector.broadcast %add3A_274 : i32 to vector<2304x128xi32>
    %add3A_276 = arith.addi %iota3A, %add3A_275 : vector<2304x128xi32>
    %select_n3A_277 = arith.select %lt3A_269, %add3A_276, %select_n3A_255 : vector<2304x128xi1>, vector<2304x128xi32>
    %get3A_278 = arith.constant 0 : index
    %get3A_279 = arith.constant 1536 : index
    %get3A_280 = vector.load %arg7[%get3A_278, %get3A_279] : memref<2304x2048xf32, #tpu.memory_space<vmem>>, vector<2304x128xf32>
    %mul3A_281 = arith.constant 2.000000e+00 : f32
    %mul3A_282 = vector.broadcast %mul3A_281 : f32 to vector<2304x128xf32>
    %mul3A_283 = arith.mulf %mul3A_282, %get3A_280 : vector<2304x128xf32>
    %sub3A_284 = vector.broadcast %get3A_13 : vector<2304x1xf32> to vector<2304x128xf32>
    %sub3A_285 = arith.subf %sub3A_284, %mul3A_283 : vector<2304x128xf32>
    %get3A_286 = arith.constant 0 : index
    %get3A_287 = arith.constant 1536 : index
    %get3A_288 = vector.load %arg4[%get3A_286, %get3A_287] : memref<1x2048xf32, #tpu.memory_space<vmem>>, vector<1x128xf32>
    %add3A_289 = vector.broadcast %get3A_288 : vector<1x128xf32> to vector<2304x128xf32>
    %add3A_290 = arith.addf %sub3A_285, %add3A_289 : vector<2304x128xf32>
    %lt3A_291 = arith.cmpf olt, %add3A_290, %min3A_270 : vector<2304x128xf32>
    %min3A_292 = arith.minimumf %add3A_290, %min3A_270 : vector<2304x128xf32>
    %mul3A_293 = arith.constant 2048 : i32
    %mul3A_294 = arith.muli %arg0, %mul3A_293 : i32
    %add3A_295 = arith.constant 1536 : i32
    %add3A_296 = arith.addi %mul3A_294, %add3A_295 : i32
    %add3A_297 = vector.broadcast %add3A_296 : i32 to vector<2304x128xi32>
    %add3A_298 = arith.addi %iota3A, %add3A_297 : vector<2304x128xi32>
    %select_n3A_299 = arith.select %lt3A_291, %add3A_298, %select_n3A_277 : vector<2304x128xi1>, vector<2304x128xi32>
    %get3A_300 = arith.constant 0 : index
    %get3A_301 = arith.constant 1664 : index
    %get3A_302 = vector.load %arg7[%get3A_300, %get3A_301] : memref<2304x2048xf32, #tpu.memory_space<vmem>>, vector<2304x128xf32>
    %mul3A_303 = arith.constant 2.000000e+00 : f32
    %mul3A_304 = vector.broadcast %mul3A_303 : f32 to vector<2304x128xf32>
    %mul3A_305 = arith.mulf %mul3A_304, %get3A_302 : vector<2304x128xf32>
    %sub3A_306 = vector.broadcast %get3A_13 : vector<2304x1xf32> to vector<2304x128xf32>
    %sub3A_307 = arith.subf %sub3A_306, %mul3A_305 : vector<2304x128xf32>
    %get3A_308 = arith.constant 0 : index
    %get3A_309 = arith.constant 1664 : index
    %get3A_310 = vector.load %arg4[%get3A_308, %get3A_309] : memref<1x2048xf32, #tpu.memory_space<vmem>>, vector<1x128xf32>
    %add3A_311 = vector.broadcast %get3A_310 : vector<1x128xf32> to vector<2304x128xf32>
    %add3A_312 = arith.addf %sub3A_307, %add3A_311 : vector<2304x128xf32>
    %lt3A_313 = arith.cmpf olt, %add3A_312, %min3A_292 : vector<2304x128xf32>
    %min3A_314 = arith.minimumf %add3A_312, %min3A_292 : vector<2304x128xf32>
    %mul3A_315 = arith.constant 2048 : i32
    %mul3A_316 = arith.muli %arg0, %mul3A_315 : i32
    %add3A_317 = arith.constant 1664 : i32
    %add3A_318 = arith.addi %mul3A_316, %add3A_317 : i32
    %add3A_319 = vector.broadcast %add3A_318 : i32 to vector<2304x128xi32>
    %add3A_320 = arith.addi %iota3A, %add3A_319 : vector<2304x128xi32>
    %select_n3A_321 = arith.select %lt3A_313, %add3A_320, %select_n3A_299 : vector<2304x128xi1>, vector<2304x128xi32>
    %get3A_322 = arith.constant 0 : index
    %get3A_323 = arith.constant 1792 : index
    %get3A_324 = vector.load %arg7[%get3A_322, %get3A_323] : memref<2304x2048xf32, #tpu.memory_space<vmem>>, vector<2304x128xf32>
    %mul3A_325 = arith.constant 2.000000e+00 : f32
    %mul3A_326 = vector.broadcast %mul3A_325 : f32 to vector<2304x128xf32>
    %mul3A_327 = arith.mulf %mul3A_326, %get3A_324 : vector<2304x128xf32>
    %sub3A_328 = vector.broadcast %get3A_13 : vector<2304x1xf32> to vector<2304x128xf32>
    %sub3A_329 = arith.subf %sub3A_328, %mul3A_327 : vector<2304x128xf32>
    %get3A_330 = arith.constant 0 : index
    %get3A_331 = arith.constant 1792 : index
    %get3A_332 = vector.load %arg4[%get3A_330, %get3A_331] : memref<1x2048xf32, #tpu.memory_space<vmem>>, vector<1x128xf32>
    %add3A_333 = vector.broadcast %get3A_332 : vector<1x128xf32> to vector<2304x128xf32>
    %add3A_334 = arith.addf %sub3A_329, %add3A_333 : vector<2304x128xf32>
    %lt3A_335 = arith.cmpf olt, %add3A_334, %min3A_314 : vector<2304x128xf32>
    %min3A_336 = arith.minimumf %add3A_334, %min3A_314 : vector<2304x128xf32>
    %mul3A_337 = arith.constant 2048 : i32
    %mul3A_338 = arith.muli %arg0, %mul3A_337 : i32
    %add3A_339 = arith.constant 1792 : i32
    %add3A_340 = arith.addi %mul3A_338, %add3A_339 : i32
    %add3A_341 = vector.broadcast %add3A_340 : i32 to vector<2304x128xi32>
    %add3A_342 = arith.addi %iota3A, %add3A_341 : vector<2304x128xi32>
    %select_n3A_343 = arith.select %lt3A_335, %add3A_342, %select_n3A_321 : vector<2304x128xi1>, vector<2304x128xi32>
    %get3A_344 = arith.constant 0 : index
    %get3A_345 = arith.constant 1920 : index
    %get3A_346 = vector.load %arg7[%get3A_344, %get3A_345] : memref<2304x2048xf32, #tpu.memory_space<vmem>>, vector<2304x128xf32>
    %mul3A_347 = arith.constant 2.000000e+00 : f32
    %mul3A_348 = vector.broadcast %mul3A_347 : f32 to vector<2304x128xf32>
    %mul3A_349 = arith.mulf %mul3A_348, %get3A_346 : vector<2304x128xf32>
    %sub3A_350 = vector.broadcast %get3A_13 : vector<2304x1xf32> to vector<2304x128xf32>
    %sub3A_351 = arith.subf %sub3A_350, %mul3A_349 : vector<2304x128xf32>
    %get3A_352 = arith.constant 0 : index
    %get3A_353 = arith.constant 1920 : index
    %get3A_354 = vector.load %arg4[%get3A_352, %get3A_353] : memref<1x2048xf32, #tpu.memory_space<vmem>>, vector<1x128xf32>
    %add3A_355 = vector.broadcast %get3A_354 : vector<1x128xf32> to vector<2304x128xf32>
    %add3A_356 = arith.addf %sub3A_351, %add3A_355 : vector<2304x128xf32>
    %lt3A_357 = arith.cmpf olt, %add3A_356, %min3A_336 : vector<2304x128xf32>
    %min3A_358 = arith.minimumf %add3A_356, %min3A_336 : vector<2304x128xf32>
    %mul3A_359 = arith.constant 2048 : i32
    %mul3A_360 = arith.muli %arg0, %mul3A_359 : i32
    %add3A_361 = arith.constant 1920 : i32
    %add3A_362 = arith.addi %mul3A_360, %add3A_361 : i32
    %add3A_363 = vector.broadcast %add3A_362 : i32 to vector<2304x128xi32>
    %add3A_364 = arith.addi %iota3A, %add3A_363 : vector<2304x128xi32>
    %select_n3A_365 = arith.select %lt3A_357, %add3A_364, %select_n3A_343 : vector<2304x128xi1>, vector<2304x128xi32>
    %swap3A_366 = arith.constant 0 : index
    %swap3A_367 = arith.constant 0 : index
    %swap3A_368 = vector.load %arg8[%swap3A_366, %swap3A_367] : memref<2304x128xf32, #tpu.memory_space<vmem>>, vector<2304x128xf32>
    tpu.vector_store %arg8[%swap3A_366, %swap3A_367], %min3A_358 {strides = array<i32>} : memref<2304x128xf32, #tpu.memory_space<vmem>>, vector<2304x128xf32>,
    %swap3A_369 = arith.constant 0 : index
    %swap3A_370 = arith.constant 0 : index
    %swap3A_371 = vector.load %arg9[%swap3A_369, %swap3A_370] : memref<2304x128xi32, #tpu.memory_space<vmem>>, vector<2304x128xi32>
    tpu.vector_store %arg9[%swap3A_369, %swap3A_370], %select_n3A_365 {strides = array<i32>} : memref<2304x128xi32, #tpu.memory_space<vmem>>, vector<2304x128xi32>,
    %eq3A_372 = arith.constant 3 : i32
    %eq3A_373 = arith.cmpi eq, %arg0, %eq3A_372 : i32
    %convert_element_type3A_374 = arith.extui %eq3A_373 : i1 to i32
    %cond3A_375 = arith.constant 0 : i32
    %cond3A_376 = arith.cmpi ne, %convert_element_type3A_374, %cond3A_375 : i32
    scf.if %cond3A_376 {
      %get3A_377 = arith.constant 0 : index
      %get3A_378 = arith.constant 0 : index
      %get3A_379 = vector.load %arg8[%get3A_377, %get3A_378] : memref<2304x128xf32, #tpu.memory_space<vmem>>, vector<2304x128xf32>
      %reduce_min3A = arith.constant dense<0x7F800000> : vector<2304xf32>
      %reduce_min3A_380 = vector.multi_reduction <minimumf>, %get3A_379, %reduce_min3A [1] : vector<2304x128xf32> to vector<2304xf32>
      %broadcast_in_dim3A = vector.shape_cast %reduce_min3A_380 : vector<2304xf32> to vector<2304x1xf32>
      %eq3A_381 = vector.broadcast %broadcast_in_dim3A : vector<2304x1xf32> to vector<2304x128xf32>
      %eq3A_382 = arith.cmpf oeq, %get3A_379, %eq3A_381 : vector<2304x128xf32>
      %get3A_383 = arith.constant 0 : index
      %get3A_384 = arith.constant 0 : index
      %get3A_385 = vector.load %arg9[%get3A_383, %get3A_384] : memref<2304x128xi32, #tpu.memory_space<vmem>>, vector<2304x128xi32>
      %jit3A = arith.constant 8192 : i32
      %broadcast_in_dim3A_386 = vector.broadcast %jit3A : i32 to vector<2304x128xi32>
      %select_n3A_387 = arith.select %eq3A_382, %get3A_385, %broadcast_in_dim3A_386 : vector<2304x128xi1>, vector<2304x128xi32>
      %reduce_min3A_388 = arith.constant dense<2147483647> : vector<2304xi32>
      %reduce_min3A_389 = vector.multi_reduction <minsi>, %select_n3A_387, %reduce_min3A_388 [1] : vector<2304x128xi32> to vector<2304xi32>
      %broadcast_in_dim3A_390 = vector.shape_cast %reduce_min3A_389 : vector<2304xi32> to vector<2304x1xi32>
      %swap3A_391 = arith.constant 0 : index
      %swap3A_392 = arith.constant 0 : index
      %swap3A_393 = vector.load %arg5[%swap3A_391, %swap3A_392] : memref<2304x1xi32, #tpu.memory_space<vmem>>, vector<2304x1xi32>
      tpu.vector_store %arg5[%swap3A_391, %swap3A_392], %broadcast_in_dim3A_390 {strides = array<i32>} : memref<2304x1xi32, #tpu.memory_space<vmem>>, vector<2304x1xi32>,
    } else {
    }
    return
  }
  func.func @transform_0(%arg0: i32) -> (i32, i32) {
    %c0_i32 = arith.constant 0 : i32
    %c0_i32_0 = arith.constant 0 : i32
    %c0_i32_1 = arith.constant 0 : i32
    return %c0_i32, %c0_i32_0 : i32, i32
  }
  func.func @transform_1(%arg0: i32) -> (i32, i32) {
    %c0_i32 = arith.constant 0 : i32
    %c0_i32_0 = arith.constant 0 : i32
    return %arg0, %c0_i32 : i32, i32
  }
  func.func @transform_2(%arg0: i32) -> (i32, i32) {
    %c0_i32 = arith.constant 0 : i32
    %c0_i32_0 = arith.constant 0 : i32
    %c0_i32_1 = arith.constant 0 : i32
    return %c0_i32, %c0_i32_0 : i32, i32
  }
  func.func @transform_3(%arg0: i32) -> (i32, i32) {
    %c0_i32 = arith.constant 0 : i32
    %c0_i32_0 = arith.constant 0 : i32
    return %c0_i32, %arg0 : i32, i32
  }
  func.func @transform_4(%arg0: i32) -> (i32, i32) {
    %c0_i32 = arith.constant 0 : i32
    %c0_i32_0 = arith.constant 0 : i32
    %c0_i32_1 = arith.constant 0 : i32
    return %c0_i32, %c0_i32_0 : i32, i32
  }
}

</mosaic_0001>

<sc_bundles>
// kernel: kernel.4.cloned.1.call-start
scs
__scs_entry_jumppad:
0x0: {  	(pc) =	sbr.rel $0x88, $3  }
0x1: {  	(tag) =	ssettag $0x0;
	lr =	simm.s32 $0x1  }
0x2: {  	[smem:$0x3F9F] =	sst lr;
	_ =	strace $0xD0000000  }
0x3: {  	_ = 	snop  }
0x4: {  	_ = 	snop  }
0x5: {  	_ = 	snop  }
0x6: {  	_ = 	snop  }
0x7: {  	_ = 	snop  }
__scs_overlays_trampoline_lowered:
0x8: {  	[smem:$0x3FAE] =	sst s0  }
0x9: {  	[smem:$0x3FAF] =	sst s1  }
0xa: {  	[smem:$0x3FB0] =	sst s2  }
0xb: {  	[smem:$0x3FB1] =	sst s3  }
0xc: {  	[smem:$0x3FB2] =	sst s4  }
0xd: {  	[smem:$0x3FB3] =	sst s5  }
0xe: {  	[smem:$0x3FB4] =	sst s6  }
0xf: {  	[smem:$0x3FB5] =	sst s7  }
0x10: {  	[smem:$0x3FB6] =	sst s8  }
0x11: {  	[smem:$0x3FB7] =	sst s9;
	s0 =	simm.s32 @!p0 $0x0  }
0x12: {  	s1 =	sld [smem:$0x3F9D];
	s0 =	simm.s32 @p0 $0x1  }
0x13: {  	[smem:$0x3FB8] =	sst s0;
	s0 =	simm.s32 @!p1 $0x0  }
0x14: {  	s2 =	sld [smem:$0x3F9C];
	s0 =	simm.s32 @p1 $0x1  }
0x15: {  	[smem:$0x3FB9] =	sst s0;
	s0 =	simm.s32 @!p2 $0x0  }
0x16: {  	s3 =	sld [smem:$0x3FDB];
	s0 =	simm.s32 @p2 $0x1  }
0x17: {  	s4 =	simm.s32 $0x1BF5;
	[smem:$0x3FBB] =	sst s0  }
0x18: {  	s0 =	sld [smem:$0x3F9E];
	_ =	swait.ge [sflag:s4], $0x0  }
0x19: {  	s7 =	sld [smem:$0x3F9F]  }
0x1a: {  	s8 =	sadd.s32 $0xFFFFE003, lr  }
0x1b: {  	s9 =	sadd.s32 $0xFFFFFEF7, lr;
	s5 =	simm.s32 $0xFFFFFFFF;
	p2 =	slt.u32 s8, $0xFFFFF086  }
0x1c: {  	p1 =	slt.u32 s9, $0xF7A;
	s5 =	simm.s32 @!p2 $0x0  }
0x1d: {  	s5 =	simm.s32 @p1 $0x1;
	p0 =	seq.s32 s7, s2  }
0x1e: {  	s7 =	smul.u32 @!p0 $0xF7A, s2;
	p2 =	seq.s32 @!p0 s5, $0x0  }
0x1f: {  	s9 =	smul.u32 $0xF7A, s1;
	s8 =	simm.s32 @!p0 $0x1BF5;
	p2 =	por !p2, p0  }
0x20: {  	[sflag:s8] =	ssyncset.s32 @!p0 $0xFFFFF086;
	s6 =	sadd.s32 @!p0 s3, s7;
	s7 =	simm.s32 @!p0 $0x108  }
0x21: {  	s3 =	sadd.s32 s3, s9;
	s6 =	sadd.s32 @!p0 $0x88, s6;
	s7 =	simm.s32 @p2 $0x1082  }
0x22: {  	[simem:s7], [sflag:s8] =	dma.local @!p0 [hbm:s6], $0xF7A  }
0x23: {  	s9 =	sor.u32 $0xD0000000, s2;
	s6 =	simm.s32 $0x108;
	_ =	swait.ge @!p0 [sflag:s8], $0x0  }
0x24: {  	s3 =	sadd.s32 $0x88, s3;
	s6 =	simm.s32 @!p1 $0x1082;
	[sflag:s4] =	ssyncset.s32 $0xFFFFF086  }
0x25: {  	[simem:s6], [sflag:s4] =	dma.local [hbm:s3], $0xF7A  }
0x26: {  	[smem:$0x3F9F] =	sst s1;
	(tag) =	ssettag s2;
	_ =	strace s9  }
0x27: {  	s1 =	sld [smem:$0x3FAF]  }
0x28: {  	s2 =	sld [smem:$0x3FB0]  }
0x29: {  	s4 =	sld [smem:$0x3FB2]  }
0x2a: {  	p0 =	seq.s32 s5, $0x0;
	s5 =	sld [smem:$0x3FB3]  }
0x2b: {  	s6 =	sld [smem:$0x3FB4]  }
0x2c: {  	s7 =	sld [smem:$0x3FB5]  }
0x2d: {  	s3 =	simm.s32 $0x108;
	s8 =	sld [smem:$0x3FB6]  }
0x2e: {  	s3 =	simm.s32 @!p0 $0x1082;
	s9 =	sld [smem:$0x3FB7]  }
0x2f: {  	lr =	sadd.s32 s0, s3;
	s0 =	sld [smem:$0x3FAE]  }
0x30: {  	s3 =	sld [smem:$0x3FB1]  }
0x31: {  	[smem:$0x3FBA] =	sst s10  }
0x32: {  	s10 =	sld [smem:$0x3FB8];
	_ =	sdelay $0x3  }
0x33: {  	p0 =	seq.s32 s10, $0x1;
	s10 =	sld [smem:$0x3FBA];
	_ =	sdelay $0x3  }
0x34: {  	[smem:$0x3FBA] =	sst s10  }
0x35: {  	s10 =	sld [smem:$0x3FB9];
	_ =	sdelay $0x3  }
0x36: {  	p1 =	seq.s32 s10, $0x1;
	s10 =	sld [smem:$0x3FBA];
	_ =	sdelay $0x3  }
0x37: {  	[smem:$0x3FBA] =	sst s10  }
0x38: {  	s10 =	sld [smem:$0x3FBB]  }
0x39: {  	_ = 	snop;
	(pc) =	sbr.ind lr, $3  }
0x3a: {  	_ = 	snop  }
0x3b: {  	_ = 	snop  }
0x3c: {  	p2 =	seq.s32 s10, $0x1;
	s10 =	sld [smem:$0x3FBA]  }
0x3d: {  	_ =	shalt  }
0x3e: {  	_ =	shalt  }
0x3f: {  	_ =	shalt  }
0x40: {  	_ =	shalt  }
0x41: {  	_ =	shalt  }
0x42: {  	_ =	shalt  }
0x43: {  	_ =	shalt  }
0x44: {  	_ =	shalt  }
0x45: {  	_ =	shalt  }
0x46: {  	_ =	shalt  }
0x47: {  	_ =	shalt  }
0x48: {  	_ =	shalt  }
0x49: {  	_ =	shalt  }
0x4a: {  	_ =	shalt  }
0x4b: {  	_ =	shalt  }
0x4c: {  	_ =	shalt  }
0x4d: {  	_ =	shalt  }
0x4e: {  	_ =	shalt  }
0x4f: {  	_ =	shalt  }
0x50: {  	_ =	shalt  }
0x51: {  	_ =	shalt  }
0x52: {  	_ =	shalt  }
0x53: {  	_ =	shalt  }
0x54: {  	_ =	shalt  }
0x55: {  	_ =	shalt  }
0x56: {  	_ =	shalt  }
0x57: {  	_ =	shalt  }
0x58: {  	_ =	shalt  }
0x59: {  	_ =	shalt  }
0x5a: {  	_ =	shalt  }
0x5b: {  	_ =	shalt  }
0x5c: {  	_ =	shalt  }
0x5d: {  	_ =	shalt  }
0x5e: {  	_ =	shalt  }
0x5f: {  	_ =	shalt  }
0x60: {  	_ =	shalt  }
0x61: {  	_ =	shalt  }
0x62: {  	_ =	shalt  }
0x63: {  	_ =	shalt  }
0x64: {  	_ =	shalt  }
0x65: {  	_ =	shalt  }
0x66: {  	_ =	shalt  }
0x67: {  	_ =	shalt  }
0x68: {  	_ =	shalt  }
0x69: {  	_ =	shalt  }
0x6a: {  	_ =	shalt  }
0x6b: {  	_ =	shalt  }
0x6c: {  	_ =	shalt  }
0x6d: {  	_ =	shalt  }
0x6e: {  	_ =	shalt  }
0x6f: {  	_ =	shalt  }
0x70: {  	_ =	shalt  }
0x71: {  	_ =	shalt  }
0x72: {  	_ =	shalt  }
0x73: {  	_ =	shalt  }
0x74: {  	_ =	shalt  }
0x75: {  	_ =	shalt  }
0x76: {  	_ =	shalt  }
0x77: {  	_ =	shalt  }
0x78: {  	_ =	shalt  }
0x79: {  	_ =	shalt  }
0x7a: {  	_ =	shalt  }
0x7b: {  	_ =	shalt  }
0x7c: {  	_ =	shalt  }
0x7d: {  	_ =	shalt  }
0x7e: {  	_ =	shalt  }
0x7f: {  	_ =	shalt  }
0x80: {  	_ =	shalt  }
0x81: {  	_ =	shalt  }
0x82: {  	_ =	shalt  }
0x83: {  	_ =	shalt  }
0x84: {  	_ =	shalt  }
0x85: {  	_ =	shalt  }
0x86: {  	_ =	shalt  }
0x87: {  	_ =	shalt  }
.Lfunc_end0:
.L_simem_size_0:
called_computation_lowered:
.L_overlay_start_0:
0x88: {  	s2 =	sld [smem:$0x3FD9]  }
0x89: {  	s3 =	sld [smem:$0x3FFE];
	_ =	sdelay $0x1  }
0x8a: {  	s1 =	srdreg.scid  }
0x8b: {  	s0 =	sand.u32 $0x1, s1  }
0x8c: {  	s14 =	sshll.u32 s0, $0xA;
	s2 =	sadd.s32 s3, s2  }
0x8d: {  	s2 =	sadd.s32 s2, s14  }
0x8e: {  	[smem:$0x3FC6] =	sst s2  }
0x8f: {  	_ = 	snop  }
0x90: {  	s2 =	sld [smem:$0x3FD0];
	_ =	sdelay $0x2  }
0x91: {  	s4 =	simm.s32 $0xA;
	s5 =	simm.s32 $0x10;
	s15 =	sld [smem:$0x3FC8]  }
0x92: {  	[smem:s5], [sflag:s4] =	dma.local [hbm:s2], $0x1  }
0x93: {  	_ =	swait.eq [sflag:s4], $0x1  }
0x94: {  	[sflag:s4] =	ssyncset.done $0x0  }
0x95: {  	[sflag:s4] =	ssyncadd.s32 $0xFFFFFFFF  }
0x96: {  	s16 =	sld [smem:$0x10];
	(tm) =	ssettm $0x1  }
0x97: {  	s17 =	sld [smem:$0x3FFB];
	_ =	sdelay $0x3  }
0x98: {  	_ =	strace s17  }
0x99: {  	s4 =	sld [smem:$0x3FFC];
	_ =	sdelay $0x3  }
0x9a: {  	_ =	strace s4  }
0x9b: {  	s4 =	sld [smem:$0x3FFD];
	_ =	sdelay $0x3  }
0x9c: {  	_ =	strace s4  }
0x9d: {  	_ =	strace $0x8FFFFFFF  }
0x9e: {  	s18 =	sld [smem:$0x3FDB];
	_ =	sdelay $0x1  }
0x9f: {  	s19 =	simm.s32 $_scs_section_size  }
0xa0: {  	s6 =	simm.s32 $_size__tile_overlayer_lowered;
	s7 =	simm.s32 $_tile_overlayer_lowered  }
0xa1: {  	s22 =	simm.s32 $0x1BFF;
	s21 =	sshll.u32 s7, $0x1;
	s4 =	sadd.s32 s19, s18  }
0xa2: {  	s8 =	simm.s32 $0x0;
	s20 =	sshll.u32 s6, $0x1;
	s6 =	sadd.s32 s21, s4  }
0xa3: {  	[timem:s8], [sflag:s22] =	dma.local [hbm:s6], s20  }
0xa4: {  	_ =	swait.ge [sflag:s22], s20  }
0xa5: {  	s5 =	ssub.s32 $0x0, s20;
	[sflag:s22] =	ssyncset.done $0x0  }
0xa6: {  	[sflag:s22] =	ssyncadd.s32 s5;
	_ =	sdelay $0x1  }
0xa7: {  	s23 =	simm.s32 $0x1B8B  }
0xa8: {  	_ =	swait.ge [sflag:s23], $0x1  }
0xa9: {  	[sflag:s23] =	ssyncset.done $0x0  }
0xaa: {  	s25 =	simm.s32 $0x1B8E;
	s24 =	sld [smem:$0x3FFE];
	[sflag:s23] =	ssyncadd.s32 $0xFFFFFFFF  }
0xab: {  	s26 =	simm.s32 $execute0_lowered;
	[smem:$0x3FD2] =	sst s25  }
0xac: {  	s6 =	sshll.u32 s26, $0x1;
	_ =	strace $0x80000046;
	[dreg:$0x1] =	wrdreg $0xFFFFFFFF  }
0xad: {  	s28 =	simm.s32 $_size_execute0_lowered;
	s4 =	sadd.s32 s4, s6;
	[dreg:$0x0] =	wrdreg $0x0  }
0xae: {  	s6 =	sshll.u32 s28, $0x1;
	[dreg:$0x2] =	wrdreg s4  }
0xaf: {  	[dreg:$0x3] =	wrdreg s6  }
0xb0: {  	[dreg:$0x4] =	wrdreg $0xC0  }
0xb1: {  	_ =	task [dreg:s8], $0x5FFFF  }
0xb2: {  	[dreg:$0x1] =	wrdreg $0xFFFFFFFF  }
0xb3: {  	[dreg:$0x0] =	wrdreg $0x60  }
0xb4: {  	[dreg:$0x2] =	wrdreg s15  }
0xb5: {  	[dreg:$0x3] =	wrdreg s24  }
0xb6: {  	[dreg:$0x4] =	wrdreg s16  }
0xb7: {  	[dreg:$0x5] =	wrdreg $0x9  }
0xb8: {  	_ =	task.clear_ibuf [dreg:s8], $0x6FFFF;
	_ =	strace $0x90000046  }
0xb9: {  	s29 =	simm.s32 $0x9;
	_ =	strace $0x80000048  }
0xba: {  	_ =	swait.ge [sflag:s29], $0x1  }
0xbb: {  	[sflag:s29] =	ssyncadd.s32 $0xFFFFFFFF  }
0xbc: {  	_ =	strace $0x90000048  }
0xbd: {  	_ =	sfence  }
0xbe: {  	s30 =	sld [smem:$0x0];
	_ =	sdelay $0x2  }
0xbf: {  	s31 =	sshll.u32 s1, $0xD;
	s1 =	sshrl.u32 s1, $0x2  }
0xc0: {  	s3 =	sand.u32 $0x4000, s31;
	s1 =	sadd.s32 s1, s30  }
0xc1: {  	s0 =	sor.u32 s3, s0;
	s1 =	sshll.u32 s1, $0x11  }
0xc2: {  	s0 =	sor.u32 s1, s0  }
0xc3: {  	s0 =	sadd.s32 $0x8F2B, s0  }
0xc4: {  	[sflag:s0] =	ssyncadd.remote.s32 $0x1  }
0xc5: {  	_ =	sfence.sel $0xFFFF  }
0xc6: {  	[dreg:$0x0] =	wrdreg $0xFFFFFFFF;
	(pc) =	sbr.abs _section_cstart, $3  }
0xc7: {  	[dreg:$0x1] =	wrdreg $0xFFFFFFFF  }
0xc8: {  	_ =	task.clear_ibuf [dreg:s8], $0x2FFFF;
	_ =	strace $0x9FFFFFFF  }
0xc9: {  	(tm) =	ssettm $0x7FFFFFFF  }
tec
execute0_lowered:
.L_overlay_start_1:
0x0: {  	(tag) =	ssettag $0x1  }
0x1: {  	s1 =	rddreg [dreg:$0x0];
	s2 =	srdreg.scid  }
0x2: {  	s0 =	stileid.u32;
	s4 =	rddreg [dreg:$0x1]  }
0x3: {  	s6 =	rddreg [dreg:$0x2];
	s3 =	simm.s32 $0x0;
	s10 =	simm.s32 $0x1080  }
0x4: {  	s11 =	simm.s32 $0x1880;
	s12 =	simm.s32 $0x2080;
	s13 =	simm.s32 $0x2880  }
0x5: {  	s14 =	simm.s32 $0x3080;
	s5 =	sand.u32 $0x1, s2;
	s31 =	sshll.u32 s0, $0x1  }
0x6: {  	s15 =	simm.s32 $0x3880;
	s16 =	simm.s32 $0x4080;
	s7 =	sor.u32 s5, s31  }
0x7: {  	s17 =	simm.s32 $0x1;
	s5 =	ssub.s32 $0x2, s5;
	s8 =	smul.u32 $0x9, s7  }
0x8: {  	[smem:$0x7FF] =	sst s3;
	s7 =	smul.u32 $0x900, s7;
	s9 =	sshrl.u32 s5, $0x1  }
0x9: {  	v2 =	vlaneseq.u32;
	s2 =	rddreg [dreg:$0x3];
	_ =	strace $0x80000047;
	s9 =	ssub.s32 s5, s9  }
0xa: {  	vm0 =	vmmov $0xffff;
	v1 =	vshrl.u32 v2, $0x3;
	s4 =	sadd.s32 s4, s8;
	s5 =	sadd.s32 s6, s7;
	s6 =	smax.u32 s9, $0x1  }
0xb: {  	v0 =	vand.u32 $0x7, v2;
	v2 =	vor.u32 $0x8, v2;
	v1 =	vmul.u32 $0x8, v1;
	s7 =	simm.s32 $0x2;
	s8 =	simm.s32 $0x80;
	s9 =	simm.s32 $0x880  }
.LBB2_1:
0xc: {  	[tilespmem:s3], [sflag:$0x2] =	stream.linear.gather [hbm4b:s4+s3], $0x48, $0x38;
	[tilespmem:$0x4880] =	vst v63  }
0xd: {  	_ =	swait.ge [sflag:s7], $0x48  }
0xe: {  	[sflag:s7] =	ssyncset.done $0x0  }
0xf: {  	[sflag:s7] =	ssyncadd.s32 $0xFFFFFFB8  }
0x10: {  	v3 =	vld [tilespmem:$0x0];
	_ =	sdelay $0x4  }
0x11: {  	v4 =	vshll.u32 v3, $0x1  }
0x12: {  	v3 =	vand.u32 $0x7, v3;
	v4 =	vand.u32 $0xFFFFFFF0, v4  }
0x13: {  	v3 =	vor.u32 v3, v4  }
0x14: {  	v4 =	vperm.xlane v3, v0;
	_ =	sdelay $0x1  }
0x15: {  	v3 =	vperm.xlane v3, v2;
	v4 =	vadd.s32 v1, v4;
	_ =	sdelay $0x1  }
0x16: {  	v3 =	vadd.s32 v1, v3;
	_ =	sdelay $0x2  }
0x17: {  	[tilespmem:s8], [sflag:$0x1] =	stream.indirect_vreg.gather [hbm4b:s1+s3], $0x80, v4, vm0, $0xb8;
	[tilespmem:$0x4880] =	vst v63  }
0x18: {  	_ = 	snop  }
0x19: {  	[tilespmem:s9], [sflag:$0x1] =	stream.indirect_vreg.gather [hbm4b:s1+s3], $0x80, v3, vm0, $0xb8;
	[tilespmem:$0x4880] =	vst v63  }
0x1a: {  	v3 =	vld [tilespmem:$0x10];
	_ =	sdelay $0x4  }
0x1b: {  	v60 =	vshll.u32 v3, $0x1  }
0x1c: {  	v3 =	vand.u32 $0x7, v3;
	v4 =	vand.u32 $0xFFFFFFF0, v60  }
0x1d: {  	v3 =	vor.u32 v3, v4  }
0x1e: {  	v4 =	vperm.xlane v3, v0;
	_ =	sdelay $0x1  }
0x1f: {  	v3 =	vperm.xlane v3, v2;
	v4 =	vadd.s32 v1, v4;
	_ =	sdelay $0x1  }
0x20: {  	v3 =	vadd.s32 v1, v3;
	_ =	sdelay $0x2  }
0x21: {  	[tilespmem:s10], [sflag:$0x1] =	stream.indirect_vreg.gather [hbm4b:s1+s3], $0x80, v4, vm0, $0xb8;
	[tilespmem:$0x4880] =	vst v63  }
0x22: {  	_ = 	snop  }
0x23: {  	[tilespmem:s11], [sflag:$0x1] =	stream.indirect_vreg.gather [hbm4b:s1+s3], $0x80, v3, vm0, $0xb8;
	[tilespmem:$0x4880] =	vst v63  }
0x24: {  	v3 =	vld [tilespmem:$0x20];
	_ =	sdelay $0x4  }
0x25: {  	v61 =	vshll.u32 v3, $0x1  }
0x26: {  	v3 =	vand.u32 $0x7, v3;
	v4 =	vand.u32 $0xFFFFFFF0, v61  }
0x27: {  	v3 =	vor.u32 v3, v4  }
0x28: {  	v4 =	vperm.xlane v3, v0;
	_ =	sdelay $0x1  }
0x29: {  	v3 =	vperm.xlane v3, v2;
	v4 =	vadd.s32 v1, v4;
	_ =	sdelay $0x1  }
0x2a: {  	v3 =	vadd.s32 v1, v3;
	_ =	sdelay $0x2  }
0x2b: {  	[tilespmem:s12], [sflag:$0x1] =	stream.indirect_vreg.gather [hbm4b:s1+s3], $0x80, v4, vm0, $0xb8;
	[tilespmem:$0x4880] =	vst v63  }
0x2c: {  	_ = 	snop  }
0x2d: {  	[tilespmem:s13], [sflag:$0x1] =	stream.indirect_vreg.gather [hbm4b:s1+s3], $0x80, v3, vm0, $0xb8;
	[tilespmem:$0x4880] =	vst v63  }
0x2e: {  	v3 =	vld [tilespmem:$0x30];
	_ =	sdelay $0x4  }
0x2f: {  	v62 =	vshll.u32 v3, $0x1  }
0x30: {  	v3 =	vand.u32 $0x7, v3;
	v4 =	vand.u32 $0xFFFFFFF0, v62  }
0x31: {  	v3 =	vor.u32 v3, v4  }
0x32: {  	v4 =	vperm.xlane v3, v0;
	_ =	sdelay $0x1  }
0x33: {  	v3 =	vperm.xlane v3, v2;
	v4 =	vadd.s32 v1, v4;
	_ =	sdelay $0x1  }
0x34: {  	v3 =	vadd.s32 v1, v3;
	_ =	sdelay $0x2  }
0x35: {  	[tilespmem:s14], [sflag:$0x1] =	stream.indirect_vreg.gather [hbm4b:s1+s3], $0x80, v4, vm0, $0xb8;
	[tilespmem:$0x4880] =	vst v63  }
0x36: {  	_ = 	snop  }
0x37: {  	[tilespmem:s15], [sflag:$0x1] =	stream.indirect_vreg.gather [hbm4b:s1+s3], $0x80, v3, vm0, $0xb8;
	[tilespmem:$0x4880] =	vst v63  }
0x38: {  	v3 =	vld.msk [tilespmem:$0x40], $0xff;
	_ =	sdelay $0x4  }
0x39: {  	v63 =	vshll.u32 v3, $0x1  }
0x3a: {  	v3 =	vand.u32 $0x7, v3;
	v4 =	vand.u32 $0xFFFFFFF0, v63  }
0x3b: {  	v3 =	vor.u32 v3, v4  }
0x3c: {  	v3 =	vperm.xlane v3, v0;
	_ =	sdelay $0x1  }
0x3d: {  	v3 =	vadd.s32 v1, v3;
	_ =	sdelay $0x4  }
0x3e: {  	[tilespmem:s16], [sflag:$0x1] =	stream.indirect_vreg.gather [hbm4b:s1+s3], $0x80, v3, vm0, $0xb8;
	[tilespmem:$0x4880] =	vst v63  }
0x3f: {  	_ =	swait.ge [sflag:s17], $0x4800  }
0x40: {  	p0 =	sne.s32 s6, $0x1;
	[sflag:s17] =	ssyncset.done $0x0  }
.Ltmp0:
0x41: {  	[sflag:s17] =	ssyncadd.s32 $0xFFFFB800;
	(pc) =	sbr.rel @p0 .LBB2_1-.Ltmp0, $4  }
0x42: {  	[hbm4b:s5+s3] =	stream.linear.scatter [tilespmem:s8], [sflag:$0x2], $0x4800, $0x38;
	[tilespmem:$0x4880] =	vst v63  }
0x43: {  	_ =	swait.ge [sflag:s7], $0x4800  }
0x44: {  	[sflag:s7] =	ssyncset.done $0x0  }
0x45: {  	s6 =	sadd.s32 $0xFFFFFFFF, s6;
	[sflag:s7] =	ssyncadd.s32 $0xFFFFB800  }
0x46: {  	_ =	sfence.sel $0x180000  }
0x47: {  	[bflag:$0x0] =	sbarrier.arrive $0xFFFF  }
0x48: {  	p0 =	sne.s32 s0, $0x0;
	_ =	strace $0x90000047  }
0x49: {  	s0 =	sadd.s32 @!p0 $0x100000, s2;
	[bflag:$0x2] =	sbarrier.arrive $0xFFFF  }
0x4a: {  	[sflag:s0] =	ssyncadd.tile.s32 @!p0 $0x1;
	_ =	shalt  }
.Lfunc_end2:
_tile_overlayer_lowered:
.L_overlay_start_2:
0x4b: {  	(tag) =	ssettag $0x2  }
0x4c: {  	s0 =	rddreg [dreg:$0x0];
	s2 =	stileid.u32  }
0x4d: {  	s1 =	rddreg [dreg:$0x1];
	p0 =	sne.s32 s2, $0x0  }
0x4e: {  	s3 =	rddreg [dreg:$0x2];
	[bflag:$0x3] =	sbarrier.arrive $0xFFFF;
	s2 =	simm.s32 @!p0 $0x1C02  }
0x4f: {  	[timem:s3], [sflag:s2] =	dma.local @!p0 [hbm:s0], s1  }
0x50: {  	s0 =	simm.s32 @!p0 $0x2  }
0x51: {  	_ =	swait.ge @!p0 [sflag:s0], s1  }
0x52: {  	s1 =	ssub.s32 @!p0 $0x0, s1;
	[sflag:s0] =	ssyncset.done @!p0 $0x0  }
0x53: {  	[sflag:s0] =	ssyncadd.s32 @!p0 s1  }
0x54: {  	[bflag:$0x3] =	sbarrier.arrive $0xFFFF  }
0x55: {  	_ =	shalt  }

</sc_bundles>
